<compile_context>
chip_gen: v7x
topology: tpu7x:2x2x1
jax: 0.10.2.dev20260603
libtpu: 0.0.44.dev20260713+nightly
codegen_flags: <defaults>
</compile_context>

<pallas_src>
import functools

import jax
import jax.numpy as jnp
from jax import lax
from jax.experimental import pallas as pl
from jax.experimental.pallas import tpu as pltpu
from jax.experimental.pallas import tpu_sc as plsc

_BLK = 8192
_INT_MAX = 2147483647


def _tc_dist_block(data_ref, w_ref, b_ref, p_ref, idx_ref, bv_s, bi_s, *,
                   n_rows, nb):
    i = pl.program_id(0)
    x = data_ref[...]
    e = jnp.dot(x, w_ref[...], preferred_element_type=jnp.float32)
    diff = e + (b_ref[...] - p_ref[...])
    d2 = jnp.sum(diff * diff, axis=1, keepdims=True)
    d2r = d2.reshape(_BLK // 128, 128)
    ridx = (lax.broadcasted_iota(jnp.int32, d2r.shape, 0) * 128
            + lax.broadcasted_iota(jnp.int32, d2r.shape, 1))
    d2r = jnp.where((i * _BLK + ridx) < n_rows, d2r, jnp.inf)
    m = jnp.min(d2r)
    a = i * _BLK + jnp.min(jnp.where(d2r == m, ridx, _INT_MAX))

    @pl.when(i == 0)
    def _():
        bv_s[0] = jnp.float32(jnp.inf)
        bi_s[0] = jnp.int32(_INT_MAX)

    better = m < bv_s[0]
    bv_s[0] = jnp.where(better, m, bv_s[0])
    bi_s[0] = jnp.where(better, a, bi_s[0])

    @pl.when(i == nb - 1)
    def _():
        idx_ref[...] = jnp.full((1, 128), bi_s[0], jnp.int32)


def _make_sc_gather(n_rows, feat_dim):
    mesh = plsc.VectorSubcoreMesh(core_axis_name="c", subcore_axis_name="s",
                                  num_cores=1)

    @functools.partial(
        pl.kernel,
        mesh=mesh,
        out_type=[
            jax.ShapeDtypeStruct((1, feat_dim), jnp.float32),
            jax.ShapeDtypeStruct((16,), jnp.int32),
        ],
        scratch_types=[
            pltpu.VMEM((128,), jnp.int32),
            pltpu.VMEM((1, feat_dim), jnp.float32),
            pltpu.VMEM((16,), jnp.int32),
            pltpu.VMEM((16,), jnp.int32),
        ],
    )
    def sc_fn(idx_hbm, data_hbm, lab_hbm, row_out, lab_out,
              idx_v, row_v, lab_v, lsel_v):
        c = lax.axis_index("c")
        s = lax.axis_index("s")

        @pl.when((c == 0) & (s == 0))
        def _():
            pltpu.sync_copy(idx_hbm, idx_v)
            idx = idx_v[pl.ds(0, 16)][0]
            pltpu.sync_copy(data_hbm.at[pl.ds(idx, 1)], row_v)
            pltpu.sync_copy(row_v, row_out)
            wbase = jnp.minimum((idx // 8) * 8, jnp.int32(n_rows - 16))
            pltpu.sync_copy(lab_hbm.at[pl.ds(wbase, 16)], lab_v)
            dn = lax.GatherDimensionNumbers(
                offset_dims=(), collapsed_slice_dims=(0,), start_index_map=(0,))
            lanepick = jnp.full((16,), idx - wbase, jnp.int32)
            lsel_v[...] = lax.gather(
                lab_v[pl.ds(0, 16)], lanepick[:, None], dn, (1,),
                mode=lax.GatherScatterMode.PROMISE_IN_BOUNDS)
            pltpu.sync_copy(lsel_v, lab_out)

    return sc_fn


def kernel(prototype_vector, data, label, W, b):
    n, feat = data.shape
    latent = W.shape[1]
    nb = (n + _BLK - 1) // _BLK

    idx128 = pl.pallas_call(
        functools.partial(_tc_dist_block, n_rows=n, nb=nb),
        grid=(nb,),
        in_specs=[
            pl.BlockSpec((_BLK, feat), lambda i: (i, 0)),
            pl.BlockSpec((feat, latent), lambda i: (0, 0)),
            pl.BlockSpec((1, latent), lambda i: (0, 0)),
            pl.BlockSpec((1, latent), lambda i: (0, 0)),
        ],
        out_specs=pl.BlockSpec((1, 128), lambda i: (0, 0)),
        out_shape=jax.ShapeDtypeStruct((1, 128), jnp.int32),
        scratch_shapes=[
            pltpu.SMEM((1,), jnp.float32),
            pltpu.SMEM((1,), jnp.int32),
        ],
    )(data, W, b.reshape(1, latent), prototype_vector.reshape(1, latent))

    row, lab16 = _make_sc_gather(n, feat)(idx128.reshape(128), data, label)
    return (row.reshape(feat), lab16[0])

# --- scband reference (transcript-rebuilt; emitter-appended) ---
"""Pipeline reference for scband-project-dataset-70420283785370 (READ-ONLY COPY).

The authoritative reference and input builder live on the scoring server;
editing this copy changes nothing except your own understanding.
"""

import jax, jax.numpy as jnp
import numpy as np

N_ITEMS = 100000
FEAT_DIM = 256
LATENT_DIM = 128
NUM_CLASSES = 1000


def setup_inputs(seed: int = 0) -> dict:
    key = jax.random.key(seed)
    k1, k2, k3, k4, k5 = jax.random.split(key, 5)
    prototype_vector = jax.random.normal(k1, (LATENT_DIM,), dtype=jnp.float32)
    data = jax.random.normal(k2, (N_ITEMS, FEAT_DIM), dtype=jnp.float32)
    label = jax.random.randint(k3, (N_ITEMS,), 0, NUM_CLASSES, dtype=jnp.int64)
    # encoder: Linear(feat_dim -> latent_dim)
    W = jax.random.normal(k4, (FEAT_DIM, LATENT_DIM), dtype=jnp.float32) / np.sqrt(FEAT_DIM)
    b = jax.random.normal(k5, (LATENT_DIM,), dtype=jnp.float32) * 0.01
    return {"prototype_vector": prototype_vector, "data": data, "label": label, "W": W, "b": b}


def reference(prototype_vector, data, label, W, b):
    # encoder(data): dense projection into latent space (compute-dominant matmul)
    encoded = data @ W + b                       # [N, latent]
    difference_vectors = prototype_vector - encoded  # broadcast [N, latent]
    distances = jnp.linalg.norm(difference_vectors, axis=1)  # [N]
    minimum = jnp.argmin(distances, axis=0)
    return (data[minimum], label[minimum])

if __name__ == "__main__":
    import jax
    _d = setup_inputs()
    print(jax.jit(kernel)(*tuple(_d.values())))

</pallas_src>

<mosaic_0001>
#map = affine_map<(d0, d1) -> (0)>
#map1 = affine_map<(d0, d1) -> (0, 0)>
module attributes {stable_mosaic.version = 14 : i64} {
  func.func @sc_fn(%arg0: i32, %arg1: i32, %arg2: memref<128xi32, #tpu.memory_space<hbm>>, %arg3: memref<100000x256xf32, #tpu.memory_space<hbm>>, %arg4: memref<100000xi32, #tpu.memory_space<hbm>>, %arg5: memref<1x256xf32, #tpu.memory_space<hbm>>, %arg6: memref<16xi32, #tpu.memory_space<hbm>>, %arg7: memref<128xi32, #tpu.memory_space<vmem>>, %arg8: memref<1x256xf32, #tpu.memory_space<vmem>>, %arg9: memref<16xi32, #tpu.memory_space<vmem>>, %arg10: memref<16xi32, #tpu.memory_space<vmem>>) attributes {dimension_semantics = [#tpu.dimension_semantics<core_parallel>, #tpu.dimension_semantics<subcore_parallel>], iteration_bounds = array<i64: 1, 16>, scalar_prefetch = 0 : i64, scratch_operands = 4 : i64, tpu.core_type = #tpu.core_type<sc_vector_subcore>, window_params = [{transform_indices = #map}, {transform_indices = #map1}, {transform_indices = #map}, {transform_indices = #map1}, {transform_indices = #map}]} {
    %eq3A = arith.constant 0 : i32
    %eq3A_0 = arith.cmpi eq, %arg0, %eq3A : i32
    %eq3A_1 = arith.constant 0 : i32
    %eq3A_2 = arith.cmpi eq, %arg1, %eq3A_1 : i32
    %and3A = arith.andi %eq3A_0, %eq3A_2 : i1
    %convert_element_type3A = arith.extui %and3A : i1 to i32
    %cond3A = arith.constant 0 : i32
    %cond3A_3 = arith.cmpi ne, %convert_element_type3A, %cond3A : i32
    scf.if %cond3A_3 {
      "tpu.region"() ({
        %run_scoped3A = tpu.sem_alloc : memref<!tpu.dma_semaphore, #tpu.memory_space<semaphore_mem>>
        tpu.enqueue_dma source(%arg2 : memref<128xi32, #tpu.memory_space<hbm>>) target(%arg7 : memref<128xi32, #tpu.memory_space<vmem>>) target_semaphore(%run_scoped3A : memref<!tpu.dma_semaphore, #tpu.memory_space<semaphore_mem>>)
        tpu.wait_dma2 semaphore(%run_scoped3A : memref<!tpu.dma_semaphore, #tpu.memory_space<semaphore_mem>>) src(%arg2 : memref<128xi32, #tpu.memory_space<hbm>>) dst(%arg7 : memref<128xi32, #tpu.memory_space<vmem>>)
        tpu.yield
      }) : () -> ()
      %get3A = arith.constant 0 : index
      %get3A_4 = tpu.vector_load %arg7[%get3A] {strides = array<i32>} : memref<128xi32, #tpu.memory_space<vmem>>, vector<16xi32>,
      %get3A_5 = vector.shape_cast %get3A_4 : vector<16xi32> to vector<16xi32>
      %slice3A = vector.extract_strided_slice %get3A_5 {offsets = [0], sizes = [1], strides = [1]} : vector<16xi32> to vector<1xi32>
      %squeeze3A = vector.extract %slice3A[0] : i32 from vector<1xi32>
      "tpu.region"() ({
        %run_scoped3A = tpu.sem_alloc : memref<!tpu.dma_semaphore, #tpu.memory_space<semaphore_mem>>
        %dma_start3A = arith.constant 0 : i32
        %dma_start3A_34 = tpu.memref_slice %arg3[%squeeze3A, %dma_start3A] : memref<100000x256xf32, #tpu.memory_space<hbm>> -> memref<1x256xf32, #tpu.memory_space<hbm>>
        %dma_start3A_35 = arith.constant 0 : i32
        %dma_start3A_36 = tpu.memref_slice %arg3[%squeeze3A, %dma_start3A_35] : memref<100000x256xf32, #tpu.memory_space<hbm>> -> memref<1x256xf32, #tpu.memory_space<hbm>>
        tpu.enqueue_dma source(%dma_start3A_36 : memref<1x256xf32, #tpu.memory_space<hbm>>) target(%arg8 : memref<1x256xf32, #tpu.memory_space<vmem>>) target_semaphore(%run_scoped3A : memref<!tpu.dma_semaphore, #tpu.memory_space<semaphore_mem>>)
        %dma_wait3A = arith.constant 0 : i32
        %dma_wait3A_37 = tpu.memref_slice %arg3[%squeeze3A, %dma_wait3A] : memref<100000x256xf32, #tpu.memory_space<hbm>> -> memref<1x256xf32, #tpu.memory_space<hbm>>
        %dma_wait3A_38 = arith.constant 0 : i32
        %dma_wait3A_39 = tpu.memref_slice %arg3[%squeeze3A, %dma_wait3A_38] : memref<100000x256xf32, #tpu.memory_space<hbm>> -> memref<1x256xf32, #tpu.memory_space<hbm>>
        tpu.wait_dma2 semaphore(%run_scoped3A : memref<!tpu.dma_semaphore, #tpu.memory_space<semaphore_mem>>) src(%dma_wait3A_39 : memref<1x256xf32, #tpu.memory_space<hbm>>) dst(%arg8 : memref<1x256xf32, #tpu.memory_space<vmem>>)
        tpu.yield
      }) : () -> ()
      "tpu.region"() ({
        %run_scoped3A = tpu.sem_alloc : memref<!tpu.dma_semaphore, #tpu.memory_space<semaphore_mem>>
        tpu.enqueue_dma source(%arg8 : memref<1x256xf32, #tpu.memory_space<vmem>>) target(%arg5 : memref<1x256xf32, #tpu.memory_space<hbm>>) target_semaphore(%run_scoped3A : memref<!tpu.dma_semaphore, #tpu.memory_space<semaphore_mem>>)
        tpu.wait_dma2 semaphore(%run_scoped3A : memref<!tpu.dma_semaphore, #tpu.memory_space<semaphore_mem>>) src(%arg8 : memref<1x256xf32, #tpu.memory_space<vmem>>) dst(%arg5 : memref<1x256xf32, #tpu.memory_space<hbm>>)
        tpu.yield
      }) : () -> ()
      %jit3A = arith.constant 8 : i32
      %div3A = arith.divsi %squeeze3A, %jit3A : i32
      %sign3A = arith.constant 0 : i32
      %sign3A_6 = arith.cmpi sgt, %squeeze3A, %sign3A : i32
      %sign3A_7 = arith.extui %sign3A_6 : i1 to i32
      %sign3A_8 = arith.constant 0 : i32
      %sign3A_9 = arith.cmpi slt, %squeeze3A, %sign3A_8 : i32
      %sign3A_10 = arith.extui %sign3A_9 : i1 to i32
      %sign3A_11 = arith.subi %sign3A_7, %sign3A_10 : i32
      %sign3A_12 = arith.constant 0 : i32
      %sign3A_13 = arith.cmpi sgt, %jit3A, %sign3A_12 : i32
      %sign3A_14 = arith.extui %sign3A_13 : i1 to i32
      %sign3A_15 = arith.constant 0 : i32
      %sign3A_16 = arith.cmpi slt, %jit3A, %sign3A_15 : i32
      %sign3A_17 = arith.extui %sign3A_16 : i1 to i32
      %sign3A_18 = arith.subi %sign3A_14, %sign3A_17 : i32
      %ne3A = arith.cmpi ne, %sign3A_11, %sign3A_18 : i32
      %rem3A = arith.remsi %squeeze3A, %jit3A : i32
      %ne3A_19 = arith.constant 0 : i32
      %ne3A_20 = arith.cmpi ne, %rem3A, %ne3A_19 : i32
      %and3A_21 = arith.andi %ne3A, %ne3A_20 : i1
      %sub3A = arith.constant 1 : i32
      %sub3A_22 = arith.subi %div3A, %sub3A : i32
      %select_n3A = arith.select %and3A_21, %sub3A_22, %div3A : i32
      %mul3A = arith.constant 8 : i32
      %mul3A_23 = arith.muli %select_n3A, %mul3A : i32
      %min3A = arith.constant 99984 : i32
      %min3A_24 = arith.minsi %mul3A_23, %min3A : i32
      "tpu.region"() ({
        %run_scoped3A = tpu.sem_alloc : memref<!tpu.dma_semaphore, #tpu.memory_space<semaphore_mem>>
        %dma_start3A = tpu.memref_slice %arg4[%min3A_24] : memref<100000xi32, #tpu.memory_space<hbm>> -> memref<16xi32, #tpu.memory_space<hbm>>
        %dma_start3A_34 = tpu.memref_slice %arg4[%min3A_24] : memref<100000xi32, #tpu.memory_space<hbm>> -> memref<16xi32, #tpu.memory_space<hbm>>
        tpu.enqueue_dma source(%dma_start3A_34 : memref<16xi32, #tpu.memory_space<hbm>>) target(%arg9 : memref<16xi32, #tpu.memory_space<vmem>>) target_semaphore(%run_scoped3A : memref<!tpu.dma_semaphore, #tpu.memory_space<semaphore_mem>>)
        %dma_wait3A = tpu.memref_slice %arg4[%min3A_24] : memref<100000xi32, #tpu.memory_space<hbm>> -> memref<16xi32, #tpu.memory_space<hbm>>
        %dma_wait3A_35 = tpu.memref_slice %arg4[%min3A_24] : memref<100000xi32, #tpu.memory_space<hbm>> -> memref<16xi32, #tpu.memory_space<hbm>>
        tpu.wait_dma2 semaphore(%run_scoped3A : memref<!tpu.dma_semaphore, #tpu.memory_space<semaphore_mem>>) src(%dma_wait3A_35 : memref<16xi32, #tpu.memory_space<hbm>>) dst(%arg9 : memref<16xi32, #tpu.memory_space<vmem>>)
        tpu.yield
      }) : () -> ()
      %sub3A_25 = arith.subi %squeeze3A, %min3A_24 : i32
      %broadcast_in_dim3A = vector.broadcast %sub3A_25 : i32 to vector<16xi32>
      %get3A_26 = arith.constant 0 : index
      %get3A_27 = tpu.vector_load %arg9[%get3A_26] {strides = array<i32>} : memref<16xi32, #tpu.memory_space<vmem>>, vector<16xi32>,
      %get3A_28 = vector.shape_cast %get3A_27 : vector<16xi32> to vector<16xi32>
      %broadcast_in_dim3A_29 = vector.shape_cast %broadcast_in_dim3A : vector<16xi32> to vector<16x1xi32>
      %gather3A = vector.shape_cast %broadcast_in_dim3A_29 : vector<16x1xi32> to vector<16xi32>
      %gather3A_30 = tpu.dynamic_gather %get3A_28[%gather3A] in [0] : vector<16xi32>, vector<16xi32> -> vector<16xi32>
      %swap3A = arith.constant 0 : index
      %swap3A_31 = tpu.vector_load %arg10[%swap3A] {strides = array<i32>} : memref<16xi32, #tpu.memory_space<vmem>>, vector<16xi32>,
      %swap3A_32 = vector.shape_cast %swap3A_31 : vector<16xi32> to vector<16xi32>
      %swap3A_33 = vector.shape_cast %gather3A_30 : vector<16xi32> to vector<16xi32>
      tpu.vector_store %arg10[%swap3A], %swap3A_33 {strides = array<i32>} : memref<16xi32, #tpu.memory_space<vmem>>, vector<16xi32>,
      "tpu.region"() ({
        %run_scoped3A = tpu.sem_alloc : memref<!tpu.dma_semaphore, #tpu.memory_space<semaphore_mem>>
        tpu.enqueue_dma source(%arg10 : memref<16xi32, #tpu.memory_space<vmem>>) target(%arg6 : memref<16xi32, #tpu.memory_space<hbm>>) target_semaphore(%run_scoped3A : memref<!tpu.dma_semaphore, #tpu.memory_space<semaphore_mem>>)
        tpu.wait_dma2 semaphore(%run_scoped3A : memref<!tpu.dma_semaphore, #tpu.memory_space<semaphore_mem>>) src(%arg10 : memref<16xi32, #tpu.memory_space<vmem>>) dst(%arg6 : memref<16xi32, #tpu.memory_space<hbm>>)
        tpu.yield
      }) : () -> ()
    } else {
    }
    return
  }
}

module attributes {stable_mosaic.version = 14 : i64} {
  func.func @_tc_dist_block(%arg0: i32, %arg1: memref<8192x256xf32, #tpu.memory_space<vmem>>, %arg2: memref<256x128xf32, #tpu.memory_space<vmem>>, %arg3: memref<1x128xf32, #tpu.memory_space<vmem>>, %arg4: memref<1x128xf32, #tpu.memory_space<vmem>>, %arg5: memref<1x128xi32, #tpu.memory_space<vmem>>, %arg6: memref<1xf32, #tpu.memory_space<smem>>, %arg7: memref<1xi32, #tpu.memory_space<smem>>) attributes {dimension_semantics = [#tpu.dimension_semantics<arbitrary>], iteration_bounds = array<i64: 13>, scalar_prefetch = 0 : i64, scratch_operands = 2 : i64, tpu.core_type = #tpu.core_type<tc>, window_params = [{transform_indices = @transform_0, window_bounds = array<i64: 8192, 256>}, {pipeline_mode = #tpu.pipeline_mode<synchronous>, transform_indices = @transform_1, window_bounds = array<i64: 256, 128>}, {pipeline_mode = #tpu.pipeline_mode<synchronous>, transform_indices = @transform_2, window_bounds = array<i64: 1, 128>}, {pipeline_mode = #tpu.pipeline_mode<synchronous>, transform_indices = @transform_3, window_bounds = array<i64: 1, 128>}, {pipeline_mode = #tpu.pipeline_mode<synchronous>, transform_indices = @transform_4, window_bounds = array<i64: 1, 128>}]} {
    %get3A = arith.constant 0 : index
    %get3A_0 = arith.constant 0 : index
    %get3A_1 = vector.load %arg1[%get3A, %get3A_0] : memref<8192x256xf32, #tpu.memory_space<vmem>>, vector<8192x256xf32>
    %get3A_2 = arith.constant 0 : index
    %get3A_3 = arith.constant 0 : index
    %get3A_4 = vector.load %arg2[%get3A_2, %get3A_3] : memref<256x128xf32, #tpu.memory_space<vmem>>, vector<256x128xf32>
    %dot_general3A = arith.constant dense<0.000000e+00> : vector<8192x128xf32>
    %dot_general3A_5 = tpu.matmul %get3A_1, %get3A_4, %dot_general3A {dimension_numbers = #tpu.dot_dimension_numbers<[1], [0], [0], [1], [0, 0, 1, 1], [], []>, transpose_lhs_hint = false} : vector<8192x256xf32>, vector<256x128xf32>, vector<8192x128xf32> -> vector<8192x128xf32>
    %get3A_6 = arith.constant 0 : index
    %get3A_7 = arith.constant 0 : index
    %get3A_8 = vector.load %arg3[%get3A_6, %get3A_7] : memref<1x128xf32, #tpu.memory_space<vmem>>, vector<1x128xf32>
    %get3A_9 = arith.constant 0 : index
    %get3A_10 = arith.constant 0 : index
    %get3A_11 = vector.load %arg4[%get3A_9, %get3A_10] : memref<1x128xf32, #tpu.memory_space<vmem>>, vector<1x128xf32>
    %sub3A = arith.subf %get3A_8, %get3A_11 : vector<1x128xf32>
    %add3A = vector.broadcast %sub3A : vector<1x128xf32> to vector<8192x128xf32>
    %add3A_12 = arith.addf %dot_general3A_5, %add3A : vector<8192x128xf32>
    %mul3A = arith.mulf %add3A_12, %add3A_12 : vector<8192x128xf32>
    %reduce_sum3A = arith.constant dense<0.000000e+00> : vector<8192xf32>
    %reduce_sum3A_13 = vector.multi_reduction <add>, %mul3A, %reduce_sum3A [1] : vector<8192x128xf32> to vector<8192xf32>
    %broadcast_in_dim3A = vector.shape_cast %reduce_sum3A_13 : vector<8192xf32> to vector<8192x1xf32>
    %reshape3A = vector.shape_cast %broadcast_in_dim3A : vector<8192x1xf32> to vector<64x128xf32>
    %iota3A = tpu.iota {dimensions = array<i32: 0>} : vector<64x128xi32>
    %mul3A_14 = arith.constant 128 : i32
    %mul3A_15 = vector.broadcast %mul3A_14 : i32 to vector<64x128xi32>
    %mul3A_16 = arith.muli %iota3A, %mul3A_15 : vector<64x128xi32>
    %iota3A_17 = tpu.iota {dimensions = array<i32: 1>} : vector<64x128xi32>
    %add3A_18 = arith.addi %mul3A_16, %iota3A_17 : vector<64x128xi32>
    %mul3A_19 = arith.constant 8192 : i32
    %mul3A_20 = arith.muli %arg0, %mul3A_19 : i32
    %add3A_21 = vector.broadcast %mul3A_20 : i32 to vector<64x128xi32>
    %add3A_22 = arith.addi %add3A_21, %add3A_18 : vector<64x128xi32>
    %lt3A = arith.constant 100000 : i32
    %lt3A_23 = vector.broadcast %lt3A : i32 to vector<64x128xi32>
    %lt3A_24 = arith.cmpi slt, %add3A_22, %lt3A_23 : vector<64x128xi32>
    %jit3A = arith.constant 0x7F800000 : f32
    %broadcast_in_dim3A_25 = vector.broadcast %jit3A : f32 to vector<64x128xf32>
    %select_n3A = arith.select %lt3A_24, %reshape3A, %broadcast_in_dim3A_25 : vector<64x128xi1>, vector<64x128xf32>
    %reduce_min3A = vector.shape_cast %select_n3A : vector<64x128xf32> to vector<1x64x128xf32>
    %reduce_min3A_26 = arith.constant dense<0x7F800000> : vector<1xf32>
    %reduce_min3A_27 = vector.multi_reduction <minimumf>, %reduce_min3A, %reduce_min3A_26 [1, 2] : vector<1x64x128xf32> to vector<1xf32>
    %reduce_min3A_28 = vector.shape_cast %reduce_min3A_27 : vector<1xf32> to vector<1x1x1xf32>
    %reduce_min3A_29 = vector.extract %reduce_min3A_28[0, 0, 0] : f32 from vector<1x1x1xf32>
    %mul3A_30 = arith.constant 8192 : i32
    %mul3A_31 = arith.muli %arg0, %mul3A_30 : i32
    %eq3A = vector.broadcast %reduce_min3A_29 : f32 to vector<64x128xf32>
    %eq3A_32 = arith.cmpf oeq, %select_n3A, %eq3A : vector<64x128xf32>
    %jit3A_33 = arith.constant 2147483647 : i32
    %broadcast_in_dim3A_34 = vector.broadcast %jit3A_33 : i32 to vector<64x128xi32>
    %select_n3A_35 = arith.select %eq3A_32, %add3A_18, %broadcast_in_dim3A_34 : vector<64x128xi1>, vector<64x128xi32>
    %reduce_min3A_36 = vector.shape_cast %select_n3A_35 : vector<64x128xi32> to vector<1x64x128xi32>
    %reduce_min3A_37 = arith.constant dense<2147483647> : vector<1xi32>
    %reduce_min3A_38 = vector.multi_reduction <minsi>, %reduce_min3A_36, %reduce_min3A_37 [1, 2] : vector<1x64x128xi32> to vector<1xi32>
    %reduce_min3A_39 = vector.shape_cast %reduce_min3A_38 : vector<1xi32> to vector<1x1x1xi32>
    %reduce_min3A_40 = vector.extract %reduce_min3A_39[0, 0, 0] : i32 from vector<1x1x1xi32>
    %add3A_41 = arith.addi %mul3A_31, %reduce_min3A_40 : i32
    %eq3A_42 = arith.constant 0 : i32
    %eq3A_43 = arith.cmpi eq, %arg0, %eq3A_42 : i32
    %convert_element_type3A = arith.extui %eq3A_43 : i1 to i32
    %cond3A = arith.constant 0 : i32
    %cond3A_44 = arith.cmpi ne, %convert_element_type3A, %cond3A : i32
    scf.if %cond3A_44 {
      %swap3A_62 = arith.constant 0x7F800000 : f32
      %swap3A_63 = arith.constant 0 : index
      %swap3A_64 = memref.load %arg6[%swap3A_63] : memref<1xf32, #tpu.memory_space<smem>>
      memref.store %swap3A_62, %arg6[%swap3A_63] : memref<1xf32, #tpu.memory_space<smem>>
      %swap3A_65 = arith.constant 2147483647 : i32
      %swap3A_66 = arith.constant 0 : index
      %swap3A_67 = memref.load %arg7[%swap3A_66] : memref<1xi32, #tpu.memory_space<smem>>
      memref.store %swap3A_65, %arg7[%swap3A_66] : memref<1xi32, #tpu.memory_space<smem>>
    } else {
    }
    %get3A_45 = arith.constant 0 : index
    %get3A_46 = memref.load %arg6[%get3A_45] : memref<1xf32, #tpu.memory_space<smem>>
    %lt3A_47 = arith.cmpf olt, %reduce_min3A_29, %get3A_46 : f32
    %get3A_48 = arith.constant 0 : index
    %get3A_49 = memref.load %arg6[%get3A_48] : memref<1xf32, #tpu.memory_space<smem>>
    %select_n3A_50 = arith.select %lt3A_47, %reduce_min3A_29, %get3A_49 : f32
    %swap3A = arith.constant 0 : index
    %swap3A_51 = memref.load %arg6[%swap3A] : memref<1xf32, #tpu.memory_space<smem>>
    memref.store %select_n3A_50, %arg6[%swap3A] : memref<1xf32, #tpu.memory_space<smem>>
    %get3A_52 = arith.constant 0 : index
    %get3A_53 = memref.load %arg7[%get3A_52] : memref<1xi32, #tpu.memory_space<smem>>
    %select_n3A_54 = arith.select %lt3A_47, %add3A_41, %get3A_53 : i32
    %swap3A_55 = arith.constant 0 : index
    %swap3A_56 = memref.load %arg7[%swap3A_55] : memref<1xi32, #tpu.memory_space<smem>>
    memref.store %select_n3A_54, %arg7[%swap3A_55] : memref<1xi32, #tpu.memory_space<smem>>
    %eq3A_57 = arith.constant 12 : i32
    %eq3A_58 = arith.cmpi eq, %arg0, %eq3A_57 : i32
    %convert_element_type3A_59 = arith.extui %eq3A_58 : i1 to i32
    %cond3A_60 = arith.constant 0 : i32
    %cond3A_61 = arith.cmpi ne, %convert_element_type3A_59, %cond3A_60 : i32
    scf.if %cond3A_61 {
      %get3A_62 = arith.constant 0 : index
      %get3A_63 = memref.load %arg7[%get3A_62] : memref<1xi32, #tpu.memory_space<smem>>
      %broadcast_in_dim3A_64 = vector.broadcast %get3A_63 : i32 to vector<1x128xi32>
      %swap3A_65 = arith.constant 0 : index
      %swap3A_66 = arith.constant 0 : index
      %swap3A_67 = vector.load %arg5[%swap3A_65, %swap3A_66] : memref<1x128xi32, #tpu.memory_space<vmem>>, vector<1x128xi32>
      tpu.vector_store %arg5[%swap3A_65, %swap3A_66], %broadcast_in_dim3A_64 {strides = array<i32>} : memref<1x128xi32, #tpu.memory_space<vmem>>, vector<1x128xi32>,
    } else {
    }
    return
  }
  func.func @transform_0(%arg0: i32) -> (i32, i32) {
    %c0_i32 = arith.constant 0 : i32
    %c0_i32_0 = arith.constant 0 : i32
    return %arg0, %c0_i32 : i32, i32
  }
  func.func @transform_1(%arg0: i32) -> (i32, i32) {
    %c0_i32 = arith.constant 0 : i32
    %c0_i32_0 = arith.constant 0 : i32
    %c0_i32_1 = arith.constant 0 : i32
    return %c0_i32, %c0_i32_0 : i32, i32
  }
  func.func @transform_2(%arg0: i32) -> (i32, i32) {
    %c0_i32 = arith.constant 0 : i32
    %c0_i32_0 = arith.constant 0 : i32
    %c0_i32_1 = arith.constant 0 : i32
    return %c0_i32, %c0_i32_0 : i32, i32
  }
  func.func @transform_3(%arg0: i32) -> (i32, i32) {
    %c0_i32 = arith.constant 0 : i32
    %c0_i32_0 = arith.constant 0 : i32
    %c0_i32_1 = arith.constant 0 : i32
    return %c0_i32, %c0_i32_0 : i32, i32
  }
  func.func @transform_4(%arg0: i32) -> (i32, i32) {
    %c0_i32 = arith.constant 0 : i32
    %c0_i32_0 = arith.constant 0 : i32
    %c0_i32_1 = arith.constant 0 : i32
    return %c0_i32, %c0_i32_0 : i32, i32
  }
}

</mosaic_0001>

<sc_bundles>
// kernel: kernel.4.cloned.1.call-start
scs
__scs_entry_jumppad:
0x0: {  	(pc) =	sbr.rel $0x88, $3  }
0x1: {  	(tag) =	ssettag $0x0;
	lr =	simm.s32 $0x1  }
0x2: {  	[smem:$0x3F9C] =	sst lr;
	_ =	strace $0xD0000000  }
0x3: {  	_ = 	snop  }
0x4: {  	_ = 	snop  }
0x5: {  	_ = 	snop  }
0x6: {  	_ = 	snop  }
0x7: {  	_ = 	snop  }
__scs_overlays_trampoline_lowered:
0x8: {  	[smem:$0x3FAB] =	sst s0  }
0x9: {  	[smem:$0x3FAC] =	sst s1  }
0xa: {  	[smem:$0x3FAD] =	sst s2  }
0xb: {  	[smem:$0x3FAE] =	sst s3  }
0xc: {  	[smem:$0x3FAF] =	sst s4  }
0xd: {  	[smem:$0x3FB0] =	sst s5  }
0xe: {  	[smem:$0x3FB1] =	sst s6  }
0xf: {  	[smem:$0x3FB2] =	sst s7  }
0x10: {  	[smem:$0x3FB3] =	sst s8  }
0x11: {  	[smem:$0x3FB4] =	sst s9;
	s0 =	simm.s32 @!p0 $0x0  }
0x12: {  	s1 =	sld [smem:$0x3F9A];
	s0 =	simm.s32 @p0 $0x1  }
0x13: {  	[smem:$0x3FB5] =	sst s0;
	s0 =	simm.s32 @!p1 $0x0  }
0x14: {  	s2 =	sld [smem:$0x3F99];
	s0 =	simm.s32 @p1 $0x1  }
0x15: {  	[smem:$0x3FB6] =	sst s0;
	s0 =	simm.s32 @!p2 $0x0  }
0x16: {  	s3 =	sld [smem:$0x3FDB];
	s0 =	simm.s32 @p2 $0x1  }
0x17: {  	s4 =	simm.s32 $0x1BF5;
	[smem:$0x3FB8] =	sst s0  }
0x18: {  	s0 =	sld [smem:$0x3F9B];
	_ =	swait.ge [sflag:s4], $0x0  }
0x19: {  	s7 =	sld [smem:$0x3F9C]  }
0x1a: {  	s8 =	sadd.s32 $0xFFFFE003, lr  }
0x1b: {  	s9 =	sadd.s32 $0xFFFFFEF7, lr;
	s5 =	simm.s32 $0xFFFFFFFF;
	p2 =	slt.u32 s8, $0xFFFFF086  }
0x1c: {  	p1 =	slt.u32 s9, $0xF7A;
	s5 =	simm.s32 @!p2 $0x0  }
0x1d: {  	s5 =	simm.s32 @p1 $0x1;
	p0 =	seq.s32 s7, s2  }
0x1e: {  	s7 =	smul.u32 @!p0 $0xF7A, s2;
	p2 =	seq.s32 @!p0 s5, $0x0  }
0x1f: {  	s9 =	smul.u32 $0xF7A, s1;
	s8 =	simm.s32 @!p0 $0x1BF5;
	p2 =	por !p2, p0  }
0x20: {  	[sflag:s8] =	ssyncset.s32 @!p0 $0xFFFFF086;
	s6 =	sadd.s32 @!p0 s3, s7;
	s7 =	simm.s32 @!p0 $0x108  }
0x21: {  	s3 =	sadd.s32 s3, s9;
	s6 =	sadd.s32 @!p0 $0x88, s6;
	s7 =	simm.s32 @p2 $0x1082  }
0x22: {  	[simem:s7], [sflag:s8] =	dma.local @!p0 [hbm:s6], $0xF7A  }
0x23: {  	s9 =	sor.u32 $0xD0000000, s2;
	s6 =	simm.s32 $0x108;
	_ =	swait.ge @!p0 [sflag:s8], $0x0  }
0x24: {  	s3 =	sadd.s32 $0x88, s3;
	s6 =	simm.s32 @!p1 $0x1082;
	[sflag:s4] =	ssyncset.s32 $0xFFFFF086  }
0x25: {  	[simem:s6], [sflag:s4] =	dma.local [hbm:s3], $0xF7A  }
0x26: {  	[smem:$0x3F9C] =	sst s1;
	(tag) =	ssettag s2;
	_ =	strace s9  }
0x27: {  	s1 =	sld [smem:$0x3FAC]  }
0x28: {  	s2 =	sld [smem:$0x3FAD]  }
0x29: {  	s4 =	sld [smem:$0x3FAF]  }
0x2a: {  	p0 =	seq.s32 s5, $0x0;
	s5 =	sld [smem:$0x3FB0]  }
0x2b: {  	s6 =	sld [smem:$0x3FB1]  }
0x2c: {  	s7 =	sld [smem:$0x3FB2]  }
0x2d: {  	s3 =	simm.s32 $0x108;
	s8 =	sld [smem:$0x3FB3]  }
0x2e: {  	s3 =	simm.s32 @!p0 $0x1082;
	s9 =	sld [smem:$0x3FB4]  }
0x2f: {  	lr =	sadd.s32 s0, s3;
	s0 =	sld [smem:$0x3FAB]  }
0x30: {  	s3 =	sld [smem:$0x3FAE]  }
0x31: {  	[smem:$0x3FB7] =	sst s10  }
0x32: {  	s10 =	sld [smem:$0x3FB5];
	_ =	sdelay $0x3  }
0x33: {  	p0 =	seq.s32 s10, $0x1;
	s10 =	sld [smem:$0x3FB7];
	_ =	sdelay $0x3  }
0x34: {  	[smem:$0x3FB7] =	sst s10  }
0x35: {  	s10 =	sld [smem:$0x3FB6];
	_ =	sdelay $0x3  }
0x36: {  	p1 =	seq.s32 s10, $0x1;
	s10 =	sld [smem:$0x3FB7];
	_ =	sdelay $0x3  }
0x37: {  	[smem:$0x3FB7] =	sst s10  }
0x38: {  	s10 =	sld [smem:$0x3FB8]  }
0x39: {  	_ = 	snop;
	(pc) =	sbr.ind lr, $3  }
0x3a: {  	_ = 	snop  }
0x3b: {  	_ = 	snop  }
0x3c: {  	p2 =	seq.s32 s10, $0x1;
	s10 =	sld [smem:$0x3FB7]  }
0x3d: {  	_ =	shalt  }
0x3e: {  	_ =	shalt  }
0x3f: {  	_ =	shalt  }
0x40: {  	_ =	shalt  }
0x41: {  	_ =	shalt  }
0x42: {  	_ =	shalt  }
0x43: {  	_ =	shalt  }
0x44: {  	_ =	shalt  }
0x45: {  	_ =	shalt  }
0x46: {  	_ =	shalt  }
0x47: {  	_ =	shalt  }
0x48: {  	_ =	shalt  }
0x49: {  	_ =	shalt  }
0x4a: {  	_ =	shalt  }
0x4b: {  	_ =	shalt  }
0x4c: {  	_ =	shalt  }
0x4d: {  	_ =	shalt  }
0x4e: {  	_ =	shalt  }
0x4f: {  	_ =	shalt  }
0x50: {  	_ =	shalt  }
0x51: {  	_ =	shalt  }
0x52: {  	_ =	shalt  }
0x53: {  	_ =	shalt  }
0x54: {  	_ =	shalt  }
0x55: {  	_ =	shalt  }
0x56: {  	_ =	shalt  }
0x57: {  	_ =	shalt  }
0x58: {  	_ =	shalt  }
0x59: {  	_ =	shalt  }
0x5a: {  	_ =	shalt  }
0x5b: {  	_ =	shalt  }
0x5c: {  	_ =	shalt  }
0x5d: {  	_ =	shalt  }
0x5e: {  	_ =	shalt  }
0x5f: {  	_ =	shalt  }
0x60: {  	_ =	shalt  }
0x61: {  	_ =	shalt  }
0x62: {  	_ =	shalt  }
0x63: {  	_ =	shalt  }
0x64: {  	_ =	shalt  }
0x65: {  	_ =	shalt  }
0x66: {  	_ =	shalt  }
0x67: {  	_ =	shalt  }
0x68: {  	_ =	shalt  }
0x69: {  	_ =	shalt  }
0x6a: {  	_ =	shalt  }
0x6b: {  	_ =	shalt  }
0x6c: {  	_ =	shalt  }
0x6d: {  	_ =	shalt  }
0x6e: {  	_ =	shalt  }
0x6f: {  	_ =	shalt  }
0x70: {  	_ =	shalt  }
0x71: {  	_ =	shalt  }
0x72: {  	_ =	shalt  }
0x73: {  	_ =	shalt  }
0x74: {  	_ =	shalt  }
0x75: {  	_ =	shalt  }
0x76: {  	_ =	shalt  }
0x77: {  	_ =	shalt  }
0x78: {  	_ =	shalt  }
0x79: {  	_ =	shalt  }
0x7a: {  	_ =	shalt  }
0x7b: {  	_ =	shalt  }
0x7c: {  	_ =	shalt  }
0x7d: {  	_ =	shalt  }
0x7e: {  	_ =	shalt  }
0x7f: {  	_ =	shalt  }
0x80: {  	_ =	shalt  }
0x81: {  	_ =	shalt  }
0x82: {  	_ =	shalt  }
0x83: {  	_ =	shalt  }
0x84: {  	_ =	shalt  }
0x85: {  	_ =	shalt  }
0x86: {  	_ =	shalt  }
0x87: {  	_ =	shalt  }
.Lfunc_end0:
.L_simem_size_0:
called_computation_lowered:
.L_overlay_start_0:
0x88: {  	s0 =	sld [smem:$0x3FD9]  }
0x89: {  	s1 =	sld [smem:$0x3FFE];
	_ =	sdelay $0x3  }
0x8a: {  	s0 =	sadd.s32 s1, s0  }
0x8b: {  	[smem:$0x3FC3] =	sst s0  }
0x8c: {  	_ = 	snop  }
0x8d: {  	s0 =	sld [smem:$0x3FD0];
	_ =	sdelay $0x1  }
0x8e: {  	s13 =	sld [smem:$0x3FC8]  }
0x8f: {  	s3 =	simm.s32 $0xA;
	s4 =	simm.s32 $0x10;
	s2 =	sld [smem:$0x3FC7]  }
0x90: {  	[smem:s4], [sflag:s3] =	dma.local [hbm:s0], $0x1  }
0x91: {  	_ =	swait.eq [sflag:s3], $0x1  }
0x92: {  	[sflag:s3] =	ssyncset.done $0x0  }
0x93: {  	s14 =	sld [smem:$0x10];
	[sflag:s3] =	ssyncadd.s32 $0xFFFFFFFF  }
0x94: {  	s15 =	sld [smem:$0x11];
	(tm) =	ssettm $0x1  }
0x95: {  	s16 =	sld [smem:$0x3FFB];
	_ =	sdelay $0x3  }
0x96: {  	_ =	strace s16  }
0x97: {  	s4 =	sld [smem:$0x3FFC];
	_ =	sdelay $0x3  }
0x98: {  	_ =	strace s4  }
0x99: {  	s4 =	sld [smem:$0x3FFD];
	_ =	sdelay $0x3  }
0x9a: {  	_ =	strace s4  }
0x9b: {  	_ =	strace $0x8FFFFFFF  }
0x9c: {  	s17 =	sld [smem:$0x3FDB];
	_ =	sdelay $0x1  }
0x9d: {  	s5 =	simm.s32 $_scs_section_size  }
0x9e: {  	s6 =	simm.s32 $_size__tile_overlayer_lowered;
	s7 =	simm.s32 $_tile_overlayer_lowered  }
0x9f: {  	s20 =	simm.s32 $0x1BFF;
	s19 =	sshll.u32 s7, $0x1;
	s4 =	sadd.s32 s5, s17  }
0xa0: {  	s8 =	simm.s32 $0x0;
	s18 =	sshll.u32 s6, $0x1;
	s6 =	sadd.s32 s19, s4  }
0xa1: {  	[timem:s8], [sflag:s20] =	dma.local [hbm:s6], s18  }
0xa2: {  	_ =	swait.ge [sflag:s20], s18  }
0xa3: {  	s5 =	ssub.s32 $0x0, s18;
	[sflag:s20] =	ssyncset.done $0x0  }
0xa4: {  	[sflag:s20] =	ssyncadd.s32 s5;
	_ =	sdelay $0x1  }
0xa5: {  	s21 =	simm.s32 $0x1B8B  }
0xa6: {  	_ =	swait.ge [sflag:s21], $0x1  }
0xa7: {  	[sflag:s21] =	ssyncset.done $0x0  }
0xa8: {  	s23 =	simm.s32 $0x1B8E;
	s22 =	sld [smem:$0x3FFE];
	[sflag:s21] =	ssyncadd.s32 $0xFFFFFFFF  }
0xa9: {  	s24 =	simm.s32 $execute0_lowered;
	[smem:$0x3FD2] =	sst s23  }
0xaa: {  	s6 =	sshll.u32 s24, $0x1;
	_ =	strace $0x80000046;
	[dreg:$0x1] =	wrdreg $0xFFFFFFFF  }
0xab: {  	s25 =	simm.s32 $_size_execute0_lowered;
	s4 =	sadd.s32 s4, s6;
	[dreg:$0x0] =	wrdreg $0x0  }
0xac: {  	s6 =	sshll.u32 s25, $0x1;
	[dreg:$0x2] =	wrdreg s4  }
0xad: {  	[dreg:$0x3] =	wrdreg s6  }
0xae: {  	[dreg:$0x4] =	wrdreg $0xC0  }
0xaf: {  	_ =	task [dreg:s8], $0x5FFFF  }
0xb0: {  	[dreg:$0x1] =	wrdreg $0xFFFFFFFF  }
0xb1: {  	[dreg:$0x0] =	wrdreg $0x60  }
0xb2: {  	[dreg:$0x2] =	wrdreg s22  }
0xb3: {  	[dreg:$0x3] =	wrdreg s13  }
0xb4: {  	[dreg:$0x4] =	wrdreg s2  }
0xb5: {  	[dreg:$0x5] =	wrdreg s14  }
0xb6: {  	[dreg:$0x6] =	wrdreg s15  }
0xb7: {  	[dreg:$0x7] =	wrdreg $0x9  }
0xb8: {  	_ =	task.clear_ibuf [dreg:s8], $0x8FFFF;
	_ =	strace $0x90000046  }
0xb9: {  	s26 =	simm.s32 $0x9;
	_ =	strace $0x80000048  }
0xba: {  	_ =	swait.ge [sflag:s26], $0x1  }
0xbb: {  	[sflag:s26] =	ssyncadd.s32 $0xFFFFFFFF  }
0xbc: {  	_ =	strace $0x90000048  }
0xbd: {  	_ =	sfence  }
0xbe: {  	s28 =	sld [smem:$0x0];
	_ =	sdelay $0x1  }
0xbf: {  	s29 =	srdreg.scid  }
0xc0: {  	s30 =	sshll.u32 s29, $0xD;
	s31 =	sshrl.u32 s29, $0x2  }
0xc1: {  	s1 =	sand.u32 $0x1, s29;
	s2 =	sand.u32 $0x4000, s30;
	s0 =	sadd.s32 s31, s28  }
0xc2: {  	s1 =	sor.u32 s2, s1;
	s0 =	sshll.u32 s0, $0x11  }
0xc3: {  	s0 =	sor.u32 s0, s1  }
0xc4: {  	s0 =	sadd.s32 $0x8F2B, s0  }
0xc5: {  	[sflag:s0] =	ssyncadd.remote.s32 $0x1  }
0xc6: {  	_ =	sfence.sel $0xFFFF  }
0xc7: {  	[dreg:$0x0] =	wrdreg $0xFFFFFFFF;
	(pc) =	sbr.abs _section_cstart, $3  }
0xc8: {  	[dreg:$0x1] =	wrdreg $0xFFFFFFFF  }
0xc9: {  	_ =	task.clear_ibuf [dreg:s8], $0x2FFFF;
	_ =	strace $0x9FFFFFFF  }
0xca: {  	(tm) =	ssettm $0x7FFFFFFF  }
0xcb: {  	_ =	shalt  }
tec
execute0_lowered:
.L_overlay_start_1:
0x0: {  	(tag) =	ssettag $0x1  }
0x1: {  	s2 =	rddreg [dreg:$0x0]  }
0x2: {  	s3 =	rddreg [dreg:$0x1]  }
0x3: {  	s4 =	rddreg [dreg:$0x2]  }
0x4: {  	s5 =	rddreg [dreg:$0x3]  }
0x5: {  	s1 =	rddreg [dreg:$0x4];
	s6 =	simm.s32 $0x0  }
0x6: {  	s31 =	stileid.u32;
	[smem:$0x7FF] =	sst s6  }
0x7: {  	s0 =	rddreg [dreg:$0x5];
	p0 =	sne.s32 s31, $0x0;
	_ =	strace $0x80000047  }
0x8: {  	_ =	sfence.sel @p0 $0x180000  }
0x9: {  	[bflag:$0x0] =	sbarrier.arrive @p0 $0xFFFF  }
0xa: {  	_ =	strace @p0 $0x90000047  }
0xb: {  	s2 =	sadd.s32 $0x1000, s2;
	s6 =	simm.s32 @!p0 $0x0;
	[bflag:$0x2] =	sbarrier.arrive @p0 $0xFFFF  }
0xc: {  	[tilespmem:s6], [sflag:$0x1] =	stream.linear.gather @!p0 [hbm4b:s2+s6], $0x80, $0x38;
	[tilespmem:$0x280] =	vst v63  }
0xd: {  	s2 =	simm.s32 @!p0 $0x1  }
0xe: {  	_ =	swait.ge @!p0 [sflag:s2], $0x80  }
0xf: {  	[sflag:s2] =	ssyncset.done @!p0 $0x0  }
0x10: {  	[sflag:s2] =	ssyncadd.s32 @!p0 $0xFFFFFF80  }
0x11: {  	v0 =	vld @!p0 [tilespmem:$0x0];
	_ =	sdelay $0x4  }
0x12: {  	(v2sf) =	vpush @!p0 v0, $0x0;
	_ =	sdelay $0xe  }
0x13: {  	s7 =	spop @!p0 (v2sf)  }
0x14: {  	s8 =	sshll.u32 @!p0 s7, $0x8;
	s9 =	sshll.u32 @!p0 s7, $0x7  }
0x15: {  	s8 =	sand.u32 @!p0 $0xFFFFF800, s8;
	s9 =	sand.u32 @!p0 $0x380, s9  }
0x16: {  	s8 =	sor.u32 @!p0 s9, s8  }
0x17: {  	s8 =	sshrl.u32 @!p0 s8, $0x3  }
0x18: {  	s9 =	simm.s32 @!p0 $0x80;
	s3 =	sadd.s32 @!p0 s3, s8;
	s8 =	simm.s32 @!p0 $0x400  }
0x19: {  	[tilespmem:s9], [sflag:$0x1] =	stream.strided.gather @!p0 [hbm4b:s3+s9], $0x100, s8, s9, $0x38;
	[tilespmem:$0x280] =	vst v63  }
0x1a: {  	s3 =	sand.u32 @!p0 $0x7, s7  }
0x1b: {  	p1 =	slt.s32 @!p0 s7, $0x1;
	_ =	swait.ge @!p0 [sflag:s2], $0x100;
	p2 =	sne.s32 @!p0 s3, $0x0  }
0x1c: {  	s3 =	sshra.s32 @!p0 s7, $0x1F;
	[sflag:s2] =	ssyncset.done @!p0 $0x0;
	p1 =	por @!p0 !p1, !p2  }
0x1d: {  	s3 =	sshrl.u32 @!p0 s3, $0x1D;
	[sflag:s2] =	ssyncadd.s32 @!p0 $0xFFFFFF00;
	p1 =	por @!p0 !p1, !p1  }
0x1e: {  	[hbm4b:s5+s6] =	stream.linear.scatter @!p0 [tilespmem:s9], [sflag:$0x1], $0x100, $0x38;
	[tilespmem:$0x280] =	vst v63  }
0x1f: {  	s3 =	sadd.s32 @!p0 s3, s7;
	p1 =	por !p1, p0;
	s5 =	simm.s32 @!p0 $0x1  }
0x20: {  	s3 =	sshrl.u32 @!p0 s3, $0x3;
	s5 =	simm.s32 @p1 $0x0  }
0x21: {  	s3 =	ssub.s32 @!p0 s3, s5  }
0x22: {  	s3 =	sshll.u32 @!p0 s3, $0x3  }
0x23: {  	p1 =	slt.s32 @!p0 s3, $0x18690  }
0x24: {  	p1 =	por !p1, p0  }
0x25: {  	_ =	swait.ge @!p0 [sflag:s2], $0x100;
	s3 =	simm.s32 @p1 $0x18690  }
0x26: {  	[sflag:s2] =	ssyncset.done @!p0 $0x0;
	s5 =	sshrl.u32 @!p0 s3, $0x3  }
0x27: {  	[sflag:s2] =	ssyncadd.s32 @!p0 $0xFFFFFF00;
	s4 =	sadd.s32 @!p0 s4, s5;
	s5 =	simm.s32 @!p0 $0x180  }
0x28: {  	[tilespmem:s5], [sflag:$0x1] =	stream.linear.gather @!p0 [hbm4b:s4+s6], $0x10, $0x38;
	[tilespmem:$0x280] =	vst v63  }
0x29: {  	_ =	swait.ge @!p0 [sflag:s2], $0x10  }
0x2a: {  	[sflag:s2] =	ssyncset.done @!p0 $0x0  }
0x2b: {  	[sflag:s2] =	ssyncadd.s32 @!p0 $0xFFFFFFF0  }
0x2c: {  	v0 =	vld @!p0 [tilespmem:$0x180];
	_ =	sdelay $0x2  }
0x2d: {  	s3 =	ssub.s32 @!p0 s7, s3  }
0x2e: {  	v1 =	vmov @!p0 s3  }
0x2f: {  	v0 =	vperm.xlane @!p0 v0, v1;
	_ =	sdelay $0x1  }
0x30: {  	s3 =	simm.s32 @!p0 $0x200;
	[tilespmem:$0x200] =	vst @!p0 v0  }
0x31: {  	[hbm4b:s1+s6] =	stream.linear.scatter @!p0 [tilespmem:s3], [sflag:$0x1], $0x80, $0x38;
	[tilespmem:$0x280] =	vst v63  }
0x32: {  	_ =	swait.ge @!p0 [sflag:s2], $0x80  }
0x33: {  	[sflag:s2] =	ssyncset.done @!p0 $0x0  }
0x34: {  	[sflag:s2] =	ssyncadd.s32 @!p0 $0xFFFFFF80  }
0x35: {  	_ =	sfence.sel @!p0 $0x180000  }
0x36: {  	[bflag:$0x0] =	sbarrier.arrive @!p0 $0xFFFF  }
0x37: {  	_ =	strace @!p0 $0x90000047  }
0x38: {  	s0 =	sadd.s32 @!p0 $0x100000, s0;
	[bflag:$0x2] =	sbarrier.arrive @!p0 $0xFFFF  }
0x39: {  	[sflag:s0] =	ssyncadd.tile.s32 @!p0 $0x1;
	_ =	shalt  }
.Lfunc_end2:
_tile_overlayer_lowered:
.L_overlay_start_2:
0x3a: {  	(tag) =	ssettag $0x2  }
0x3b: {  	s0 =	rddreg [dreg:$0x0];
	s2 =	stileid.u32  }
0x3c: {  	s1 =	rddreg [dreg:$0x1];
	p0 =	sne.s32 s2, $0x0  }
0x3d: {  	s3 =	rddreg [dreg:$0x2];
	[bflag:$0x3] =	sbarrier.arrive $0xFFFF;
	s2 =	simm.s32 @!p0 $0x1C01  }
0x3e: {  	[timem:s3], [sflag:s2] =	dma.local @!p0 [hbm:s0], s1  }
0x3f: {  	s0 =	simm.s32 @!p0 $0x1  }
0x40: {  	_ =	swait.ge @!p0 [sflag:s0], s1  }
0x41: {  	s1 =	ssub.s32 @!p0 $0x0, s1;
	[sflag:s0] =	ssyncset.done @!p0 $0x0  }
0x42: {  	[sflag:s0] =	ssyncadd.s32 @!p0 s1  }
0x43: {  	[bflag:$0x3] =	sbarrier.arrive $0xFFFF  }
0x44: {  	_ =	shalt  }

</sc_bundles>
